<compile_context>
chip_gen: v7x
topology: tpu7x:2x2x1
jax: 0.10.2.dev20260603
libtpu: 0.0.44.dev20260713+nightly
codegen_flags: <defaults>
</compile_context>

<pallas_src>
import functools

import jax
import jax.numpy as jnp
from jax import lax
from jax.experimental import pallas as pl
from jax.experimental.pallas import tpu as pltpu
from jax.experimental.pallas import tpu_sc as plsc

_R, _C = 4096, 256
_NC, _NS, _L = 2, 16, 16
_NW = _NC * _NS
_RW = _R // _NW


@functools.partial(
    pl.kernel,
    out_type=(
        jax.ShapeDtypeStruct((_R, _C), jnp.int32),
        jax.ShapeDtypeStruct((3, _R, _C), jnp.float32),
    ),
    mesh=plsc.VectorSubcoreMesh(core_axis_name="c", subcore_axis_name="s"),
    scratch_types=[
        pltpu.VMEM((_RW, _C), jnp.int32),
        pltpu.VMEM((_RW, _C), jnp.float32),
        pltpu.VMEM((_RW, _C), jnp.float32),
        pltpu.SemaphoreType.DMA,
        pltpu.SemaphoreType.DMA,
        pltpu.SemaphoreType.DMA,
        pltpu.SemaphoreType.DMA,
        pltpu.SemaphoreType.DMA,
        pltpu.SemaphoreType.DMA,
    ],
)
def _remap(sp_hbm, coord_hbm, out_hbm, coord_out_hbm,
           sbuf, cb0, cb1, ssem, osem, ci0, ci1, co0, co1):
    cid = lax.axis_index("c")
    sid = lax.axis_index("s")
    wid = sid * _NC + cid
    r0 = wid * _RW
    cbuf = [cb0, cb1]
    cisem = [ci0, ci1]
    cosem = [co0, co1]

    s_in = pltpu.make_async_copy(sp_hbm.at[pl.ds(r0, _RW), :], sbuf, ssem)
    s_in.start()
    c_in = []
    for p in range(2):
        cp = pltpu.make_async_copy(
            coord_hbm.at[p, pl.ds(r0, _RW), :], cbuf[p], cisem[p])
        cp.start()
        c_in.append(cp)

    neg1 = jnp.full((_L,), -1, jnp.int32)

    def step(r, carry):
        for u in range(_C // _L):
            v = sbuf[r, pl.ds(u * _L, _L)]
            w = v - 1
            ok = w.astype(jnp.uint32) < jnp.uint32(8)
            sbuf[r, pl.ds(u * _L, _L)] = jnp.where(ok, w, neg1)
        return carry

    s_in.wait()
    lax.fori_loop(0, _RW, step, 0)
    s_out = pltpu.make_async_copy(sbuf, out_hbm.at[pl.ds(r0, _RW), :], osem)
    s_out.start()

    c_out = []
    for p in range(2):
        c_in[p].wait()
        ocp = pltpu.make_async_copy(
            cbuf[p], coord_out_hbm.at[p, pl.ds(r0, _RW), :], cosem[p])
        ocp.start()
        c_out.append(ocp)
    c_out[0].wait()
    cin2 = pltpu.make_async_copy(
        coord_hbm.at[2, pl.ds(r0, _RW), :], cbuf[0], cisem[0])
    cin2.start()
    cin2.wait()
    cout2 = pltpu.make_async_copy(
        cbuf[0], coord_out_hbm.at[2, pl.ds(r0, _RW), :], cosem[0])
    cout2.start()

    c_out[1].wait()
    cout2.wait()
    s_out.wait()


def kernel(species, coordinates):
    coords3 = jnp.transpose(coordinates, (2, 0, 1))
    out, coords_out = _remap(species, coords3)
    return out, jnp.transpose(coords_out, (1, 2, 0))

# --- scband reference (transcript-rebuilt; emitter-appended) ---
"""Pipeline reference for scband-atomic-numbers-to-indices-29824252903589 (READ-ONLY COPY).

The authoritative reference and input builder live on the scoring server;
editing this copy changes nothing except your own understanding.
"""

import jax, jax.numpy as jnp
import numpy as np

# Supported elements H..O -> atomic numbers 1..8, mapped to contiguous indices 0..7.
# SpeciesConverter in torchani builds a conversion table of length max_Z+2 initialized
# to -1 (unsupported / padding), with table[Z_i] = i for each supported element.
_SUPPORTED_Z = list(range(1, 9))

def _build_table():
    max_z = max(_SUPPORTED_Z)
    table = -np.ones(max_z + 2, dtype=np.int32)
    for i, z in enumerate(_SUPPORTED_Z):
        table[z] = i
    return jnp.asarray(table)

def setup_inputs(seed: int = 0) -> dict:
    key = jax.random.key(seed)
    k1, k2 = jax.random.split(key)
    species = jax.random.randint(k1, (4096, 256), 0, 9, dtype=jnp.int32)
    coordinates = jax.random.normal(k2, (4096, 256, 3), dtype=jnp.float32)
    return {"species": species, "coordinates": coordinates}

def reference(species, coordinates):
    table = _build_table()
    # gather: atomic number -> contiguous element index (unsupported -> -1)
    idx = jnp.clip(species, 0, table.shape[0] - 1)
    species_idx = jnp.take(table, idx, axis=0)
    # forward returns the properties dict with 'species' replaced; coordinates pass through
    return species_idx, coordinates

if __name__ == "__main__":
    import jax
    _d = setup_inputs()
    print(jax.jit(kernel)(*tuple(_d.values())))

</pallas_src>

<mosaic_0001>
#map = affine_map<(d0, d1) -> (0, 0)>
#map1 = affine_map<(d0, d1) -> (0, 0, 0)>
module attributes {stable_mosaic.version = 14 : i64} {
  func.func @_remap(%arg0: i32, %arg1: i32, %arg2: memref<4096x256xi32, #tpu.memory_space<hbm>>, %arg3: memref<3x4096x256xf32, #tpu.memory_space<hbm>>, %arg4: memref<4096x256xi32, #tpu.memory_space<hbm>>, %arg5: memref<3x4096x256xf32, #tpu.memory_space<hbm>>, %arg6: memref<128x256xi32, #tpu.memory_space<vmem>>, %arg7: memref<128x256xf32, #tpu.memory_space<vmem>>, %arg8: memref<128x256xf32, #tpu.memory_space<vmem>>, %arg9: memref<!tpu.dma_semaphore, #tpu.memory_space<semaphore_mem>>, %arg10: memref<!tpu.dma_semaphore, #tpu.memory_space<semaphore_mem>>, %arg11: memref<!tpu.dma_semaphore, #tpu.memory_space<semaphore_mem>>, %arg12: memref<!tpu.dma_semaphore, #tpu.memory_space<semaphore_mem>>, %arg13: memref<!tpu.dma_semaphore, #tpu.memory_space<semaphore_mem>>, %arg14: memref<!tpu.dma_semaphore, #tpu.memory_space<semaphore_mem>>) attributes {dimension_semantics = [#tpu.dimension_semantics<core_parallel>, #tpu.dimension_semantics<subcore_parallel>], iteration_bounds = array<i64: 2, 16>, scalar_prefetch = 0 : i64, scratch_operands = 9 : i64, tpu.core_type = #tpu.core_type<sc_vector_subcore>, window_params = [{transform_indices = #map}, {transform_indices = #map1}, {transform_indices = #map}, {transform_indices = #map1}]} {
    %mul3A = arith.constant 2 : i32
    %mul3A_0 = arith.muli %arg1, %mul3A : i32
    %add3A = arith.addi %mul3A_0, %arg0 : i32
    %mul3A_1 = arith.constant 128 : i32
    %mul3A_2 = arith.muli %add3A, %mul3A_1 : i32
    %dma_start3A = arith.constant 0 : i32
    %dma_start3A_3 = tpu.memref_slice %arg2[%mul3A_2, %dma_start3A] : memref<4096x256xi32, #tpu.memory_space<hbm>> -> memref<128x256xi32, #tpu.memory_space<hbm>>
    %dma_start3A_4 = arith.constant 0 : i32
    %dma_start3A_5 = tpu.memref_slice %arg2[%mul3A_2, %dma_start3A_4] : memref<4096x256xi32, #tpu.memory_space<hbm>> -> memref<128x256xi32, #tpu.memory_space<hbm>>
    tpu.enqueue_dma source(%dma_start3A_5 : memref<128x256xi32, #tpu.memory_space<hbm>>) target(%arg6 : memref<128x256xi32, #tpu.memory_space<vmem>>) target_semaphore(%arg9 : memref<!tpu.dma_semaphore, #tpu.memory_space<semaphore_mem>>)
    %dma_start3A_6 = arith.constant 0 : i32
    %dma_start3A_7 = arith.constant 0 : i32
    %dma_start3A_8 = tpu.memref_slice %arg3[%dma_start3A_6, %mul3A_2, %dma_start3A_7] : memref<3x4096x256xf32, #tpu.memory_space<hbm>> -> memref<1x128x256xf32, #tpu.memory_space<hbm>>
    %dma_start3A_9 = tpu.memref_squeeze %dma_start3A_8 : memref<1x128x256xf32, #tpu.memory_space<hbm>> -> memref<128x256xf32, #tpu.memory_space<hbm>>
    %dma_start3A_10 = arith.constant 0 : i32
    %dma_start3A_11 = tpu.memref_slice %arg3[%dma_start3A_6, %mul3A_2, %dma_start3A_10] : memref<3x4096x256xf32, #tpu.memory_space<hbm>> -> memref<1x128x256xf32, #tpu.memory_space<hbm>>
    %dma_start3A_12 = tpu.memref_squeeze %dma_start3A_11 : memref<1x128x256xf32, #tpu.memory_space<hbm>> -> memref<128x256xf32, #tpu.memory_space<hbm>>
    tpu.enqueue_dma source(%dma_start3A_12 : memref<128x256xf32, #tpu.memory_space<hbm>>) target(%arg7 : memref<128x256xf32, #tpu.memory_space<vmem>>) target_semaphore(%arg11 : memref<!tpu.dma_semaphore, #tpu.memory_space<semaphore_mem>>)
    %dma_start3A_13 = arith.constant 1 : i32
    %dma_start3A_14 = arith.constant 0 : i32
    %dma_start3A_15 = tpu.memref_slice %arg3[%dma_start3A_13, %mul3A_2, %dma_start3A_14] : memref<3x4096x256xf32, #tpu.memory_space<hbm>> -> memref<1x128x256xf32, #tpu.memory_space<hbm>>
    %dma_start3A_16 = tpu.memref_squeeze %dma_start3A_15 : memref<1x128x256xf32, #tpu.memory_space<hbm>> -> memref<128x256xf32, #tpu.memory_space<hbm>>
    %dma_start3A_17 = arith.constant 0 : i32
    %dma_start3A_18 = tpu.memref_slice %arg3[%dma_start3A_13, %mul3A_2, %dma_start3A_17] : memref<3x4096x256xf32, #tpu.memory_space<hbm>> -> memref<1x128x256xf32, #tpu.memory_space<hbm>>
    %dma_start3A_19 = tpu.memref_squeeze %dma_start3A_18 : memref<1x128x256xf32, #tpu.memory_space<hbm>> -> memref<128x256xf32, #tpu.memory_space<hbm>>
    tpu.enqueue_dma source(%dma_start3A_19 : memref<128x256xf32, #tpu.memory_space<hbm>>) target(%arg8 : memref<128x256xf32, #tpu.memory_space<vmem>>) target_semaphore(%arg12 : memref<!tpu.dma_semaphore, #tpu.memory_space<semaphore_mem>>)
    %broadcast_in_dim3A = arith.constant -1 : i32
    %broadcast_in_dim3A_20 = vector.broadcast %broadcast_in_dim3A : i32 to vector<16xi32>
    %dma_wait3A = arith.constant 0 : i32
    %dma_wait3A_21 = tpu.memref_slice %arg2[%mul3A_2, %dma_wait3A] : memref<4096x256xi32, #tpu.memory_space<hbm>> -> memref<128x256xi32, #tpu.memory_space<hbm>>
    %dma_wait3A_22 = arith.constant 0 : i32
    %dma_wait3A_23 = tpu.memref_slice %arg2[%mul3A_2, %dma_wait3A_22] : memref<4096x256xi32, #tpu.memory_space<hbm>> -> memref<128x256xi32, #tpu.memory_space<hbm>>
    tpu.wait_dma2 semaphore(%arg9 : memref<!tpu.dma_semaphore, #tpu.memory_space<semaphore_mem>>) src(%dma_wait3A_23 : memref<128x256xi32, #tpu.memory_space<hbm>>) dst(%arg6 : memref<128x256xi32, #tpu.memory_space<vmem>>)
    %scan3A = arith.constant 0 : i32
    %scan3A_24 = arith.constant 0 : i32
    %scan3A_25 = arith.constant 128 : i32
    %scan3A_26 = arith.addi %scan3A_24, %scan3A_25 : i32
    %scan3A_27 = arith.constant 1 : i32
    scf.for %scan3A_107 = %scan3A_24 to %scan3A_26 step %scan3A_27  : i32 {
      %get3A = arith.index_cast %scan3A_107 : i32 to index
      %get3A_108 = arith.constant 0 : index
      %get3A_109 = tpu.vector_load %arg6[%get3A, %get3A_108] {strides = array<i32>} : memref<128x256xi32, #tpu.memory_space<vmem>>, vector<1x16xi32>,
      %get3A_110 = vector.shape_cast %get3A_109 : vector<1x16xi32> to vector<16xi32>
      %sub3A = arith.constant 1 : i32
      %sub3A_111 = vector.broadcast %sub3A : i32 to vector<16xi32>
      %sub3A_112 = arith.subi %get3A_110, %sub3A_111 : vector<16xi32>
      %lt3A = arith.constant 8 : i32
      %lt3A_113 = vector.broadcast %lt3A : i32 to vector<16xi32>
      %lt3A_114 = arith.cmpi ult, %sub3A_112, %lt3A_113 : vector<16xi32>
      %select_n3A = arith.select %lt3A_114, %sub3A_112, %broadcast_in_dim3A_20 : vector<16xi1>, vector<16xi32>
      %swap3A = arith.index_cast %scan3A_107 : i32 to index
      %swap3A_115 = arith.constant 0 : index
      %swap3A_116 = tpu.vector_load %arg6[%swap3A, %swap3A_115] {strides = array<i32>} : memref<128x256xi32, #tpu.memory_space<vmem>>, vector<1x16xi32>,
      %swap3A_117 = vector.shape_cast %swap3A_116 : vector<1x16xi32> to vector<16xi32>
      %swap3A_118 = vector.shape_cast %select_n3A : vector<16xi32> to vector<1x16xi32>
      tpu.vector_store %arg6[%swap3A, %swap3A_115], %swap3A_118 {strides = array<i32>} : memref<128x256xi32, #tpu.memory_space<vmem>>, vector<1x16xi32>,
      %get3A_119 = arith.index_cast %scan3A_107 : i32 to index
      %get3A_120 = arith.constant 16 : index
      %get3A_121 = tpu.vector_load %arg6[%get3A_119, %get3A_120] {strides = array<i32>} : memref<128x256xi32, #tpu.memory_space<vmem>>, vector<1x16xi32>,
      %get3A_122 = vector.shape_cast %get3A_121 : vector<1x16xi32> to vector<16xi32>
      %sub3A_123 = arith.constant 1 : i32
      %sub3A_124 = vector.broadcast %sub3A_123 : i32 to vector<16xi32>
      %sub3A_125 = arith.subi %get3A_122, %sub3A_124 : vector<16xi32>
      %lt3A_126 = arith.constant 8 : i32
      %lt3A_127 = vector.broadcast %lt3A_126 : i32 to vector<16xi32>
      %lt3A_128 = arith.cmpi ult, %sub3A_125, %lt3A_127 : vector<16xi32>
      %select_n3A_129 = arith.select %lt3A_128, %sub3A_125, %broadcast_in_dim3A_20 : vector<16xi1>, vector<16xi32>
      %swap3A_130 = arith.index_cast %scan3A_107 : i32 to index
      %swap3A_131 = arith.constant 16 : index
      %swap3A_132 = tpu.vector_load %arg6[%swap3A_130, %swap3A_131] {strides = array<i32>} : memref<128x256xi32, #tpu.memory_space<vmem>>, vector<1x16xi32>,
      %swap3A_133 = vector.shape_cast %swap3A_132 : vector<1x16xi32> to vector<16xi32>
      %swap3A_134 = vector.shape_cast %select_n3A_129 : vector<16xi32> to vector<1x16xi32>
      tpu.vector_store %arg6[%swap3A_130, %swap3A_131], %swap3A_134 {strides = array<i32>} : memref<128x256xi32, #tpu.memory_space<vmem>>, vector<1x16xi32>,
      %get3A_135 = arith.index_cast %scan3A_107 : i32 to index
      %get3A_136 = arith.constant 32 : index
      %get3A_137 = tpu.vector_load %arg6[%get3A_135, %get3A_136] {strides = array<i32>} : memref<128x256xi32, #tpu.memory_space<vmem>>, vector<1x16xi32>,
      %get3A_138 = vector.shape_cast %get3A_137 : vector<1x16xi32> to vector<16xi32>
      %sub3A_139 = arith.constant 1 : i32
      %sub3A_140 = vector.broadcast %sub3A_139 : i32 to vector<16xi32>
      %sub3A_141 = arith.subi %get3A_138, %sub3A_140 : vector<16xi32>
      %lt3A_142 = arith.constant 8 : i32
      %lt3A_143 = vector.broadcast %lt3A_142 : i32 to vector<16xi32>
      %lt3A_144 = arith.cmpi ult, %sub3A_141, %lt3A_143 : vector<16xi32>
      %select_n3A_145 = arith.select %lt3A_144, %sub3A_141, %broadcast_in_dim3A_20 : vector<16xi1>, vector<16xi32>
      %swap3A_146 = arith.index_cast %scan3A_107 : i32 to index
      %swap3A_147 = arith.constant 32 : index
      %swap3A_148 = tpu.vector_load %arg6[%swap3A_146, %swap3A_147] {strides = array<i32>} : memref<128x256xi32, #tpu.memory_space<vmem>>, vector<1x16xi32>,
      %swap3A_149 = vector.shape_cast %swap3A_148 : vector<1x16xi32> to vector<16xi32>
      %swap3A_150 = vector.shape_cast %select_n3A_145 : vector<16xi32> to vector<1x16xi32>
      tpu.vector_store %arg6[%swap3A_146, %swap3A_147], %swap3A_150 {strides = array<i32>} : memref<128x256xi32, #tpu.memory_space<vmem>>, vector<1x16xi32>,
      %get3A_151 = arith.index_cast %scan3A_107 : i32 to index
      %get3A_152 = arith.constant 48 : index
      %get3A_153 = tpu.vector_load %arg6[%get3A_151, %get3A_152] {strides = array<i32>} : memref<128x256xi32, #tpu.memory_space<vmem>>, vector<1x16xi32>,
      %get3A_154 = vector.shape_cast %get3A_153 : vector<1x16xi32> to vector<16xi32>
      %sub3A_155 = arith.constant 1 : i32
      %sub3A_156 = vector.broadcast %sub3A_155 : i32 to vector<16xi32>
      %sub3A_157 = arith.subi %get3A_154, %sub3A_156 : vector<16xi32>
      %lt3A_158 = arith.constant 8 : i32
      %lt3A_159 = vector.broadcast %lt3A_158 : i32 to vector<16xi32>
      %lt3A_160 = arith.cmpi ult, %sub3A_157, %lt3A_159 : vector<16xi32>
      %select_n3A_161 = arith.select %lt3A_160, %sub3A_157, %broadcast_in_dim3A_20 : vector<16xi1>, vector<16xi32>
      %swap3A_162 = arith.index_cast %scan3A_107 : i32 to index
      %swap3A_163 = arith.constant 48 : index
      %swap3A_164 = tpu.vector_load %arg6[%swap3A_162, %swap3A_163] {strides = array<i32>} : memref<128x256xi32, #tpu.memory_space<vmem>>, vector<1x16xi32>,
      %swap3A_165 = vector.shape_cast %swap3A_164 : vector<1x16xi32> to vector<16xi32>
      %swap3A_166 = vector.shape_cast %select_n3A_161 : vector<16xi32> to vector<1x16xi32>
      tpu.vector_store %arg6[%swap3A_162, %swap3A_163], %swap3A_166 {strides = array<i32>} : memref<128x256xi32, #tpu.memory_space<vmem>>, vector<1x16xi32>,
      %get3A_167 = arith.index_cast %scan3A_107 : i32 to index
      %get3A_168 = arith.constant 64 : index
      %get3A_169 = tpu.vector_load %arg6[%get3A_167, %get3A_168] {strides = array<i32>} : memref<128x256xi32, #tpu.memory_space<vmem>>, vector<1x16xi32>,
      %get3A_170 = vector.shape_cast %get3A_169 : vector<1x16xi32> to vector<16xi32>
      %sub3A_171 = arith.constant 1 : i32
      %sub3A_172 = vector.broadcast %sub3A_171 : i32 to vector<16xi32>
      %sub3A_173 = arith.subi %get3A_170, %sub3A_172 : vector<16xi32>
      %lt3A_174 = arith.constant 8 : i32
      %lt3A_175 = vector.broadcast %lt3A_174 : i32 to vector<16xi32>
      %lt3A_176 = arith.cmpi ult, %sub3A_173, %lt3A_175 : vector<16xi32>
      %select_n3A_177 = arith.select %lt3A_176, %sub3A_173, %broadcast_in_dim3A_20 : vector<16xi1>, vector<16xi32>
      %swap3A_178 = arith.index_cast %scan3A_107 : i32 to index
      %swap3A_179 = arith.constant 64 : index
      %swap3A_180 = tpu.vector_load %arg6[%swap3A_178, %swap3A_179] {strides = array<i32>} : memref<128x256xi32, #tpu.memory_space<vmem>>, vector<1x16xi32>,
      %swap3A_181 = vector.shape_cast %swap3A_180 : vector<1x16xi32> to vector<16xi32>
      %swap3A_182 = vector.shape_cast %select_n3A_177 : vector<16xi32> to vector<1x16xi32>
      tpu.vector_store %arg6[%swap3A_178, %swap3A_179], %swap3A_182 {strides = array<i32>} : memref<128x256xi32, #tpu.memory_space<vmem>>, vector<1x16xi32>,
      %get3A_183 = arith.index_cast %scan3A_107 : i32 to index
      %get3A_184 = arith.constant 80 : index
      %get3A_185 = tpu.vector_load %arg6[%get3A_183, %get3A_184] {strides = array<i32>} : memref<128x256xi32, #tpu.memory_space<vmem>>, vector<1x16xi32>,
      %get3A_186 = vector.shape_cast %get3A_185 : vector<1x16xi32> to vector<16xi32>
      %sub3A_187 = arith.constant 1 : i32
      %sub3A_188 = vector.broadcast %sub3A_187 : i32 to vector<16xi32>
      %sub3A_189 = arith.subi %get3A_186, %sub3A_188 : vector<16xi32>
      %lt3A_190 = arith.constant 8 : i32
      %lt3A_191 = vector.broadcast %lt3A_190 : i32 to vector<16xi32>
      %lt3A_192 = arith.cmpi ult, %sub3A_189, %lt3A_191 : vector<16xi32>
      %select_n3A_193 = arith.select %lt3A_192, %sub3A_189, %broadcast_in_dim3A_20 : vector<16xi1>, vector<16xi32>
      %swap3A_194 = arith.index_cast %scan3A_107 : i32 to index
      %swap3A_195 = arith.constant 80 : index
      %swap3A_196 = tpu.vector_load %arg6[%swap3A_194, %swap3A_195] {strides = array<i32>} : memref<128x256xi32, #tpu.memory_space<vmem>>, vector<1x16xi32>,
      %swap3A_197 = vector.shape_cast %swap3A_196 : vector<1x16xi32> to vector<16xi32>
      %swap3A_198 = vector.shape_cast %select_n3A_193 : vector<16xi32> to vector<1x16xi32>
      tpu.vector_store %arg6[%swap3A_194, %swap3A_195], %swap3A_198 {strides = array<i32>} : memref<128x256xi32, #tpu.memory_space<vmem>>, vector<1x16xi32>,
      %get3A_199 = arith.index_cast %scan3A_107 : i32 to index
      %get3A_200 = arith.constant 96 : index
      %get3A_201 = tpu.vector_load %arg6[%get3A_199, %get3A_200] {strides = array<i32>} : memref<128x256xi32, #tpu.memory_space<vmem>>, vector<1x16xi32>,
      %get3A_202 = vector.shape_cast %get3A_201 : vector<1x16xi32> to vector<16xi32>
      %sub3A_203 = arith.constant 1 : i32
      %sub3A_204 = vector.broadcast %sub3A_203 : i32 to vector<16xi32>
      %sub3A_205 = arith.subi %get3A_202, %sub3A_204 : vector<16xi32>
      %lt3A_206 = arith.constant 8 : i32
      %lt3A_207 = vector.broadcast %lt3A_206 : i32 to vector<16xi32>
      %lt3A_208 = arith.cmpi ult, %sub3A_205, %lt3A_207 : vector<16xi32>
      %select_n3A_209 = arith.select %lt3A_208, %sub3A_205, %broadcast_in_dim3A_20 : vector<16xi1>, vector<16xi32>
      %swap3A_210 = arith.index_cast %scan3A_107 : i32 to index
      %swap3A_211 = arith.constant 96 : index
      %swap3A_212 = tpu.vector_load %arg6[%swap3A_210, %swap3A_211] {strides = array<i32>} : memref<128x256xi32, #tpu.memory_space<vmem>>, vector<1x16xi32>,
      %swap3A_213 = vector.shape_cast %swap3A_212 : vector<1x16xi32> to vector<16xi32>
      %swap3A_214 = vector.shape_cast %select_n3A_209 : vector<16xi32> to vector<1x16xi32>
      tpu.vector_store %arg6[%swap3A_210, %swap3A_211], %swap3A_214 {strides = array<i32>} : memref<128x256xi32, #tpu.memory_space<vmem>>, vector<1x16xi32>,
      %get3A_215 = arith.index_cast %scan3A_107 : i32 to index
      %get3A_216 = arith.constant 112 : index
      %get3A_217 = tpu.vector_load %arg6[%get3A_215, %get3A_216] {strides = array<i32>} : memref<128x256xi32, #tpu.memory_space<vmem>>, vector<1x16xi32>,
      %get3A_218 = vector.shape_cast %get3A_217 : vector<1x16xi32> to vector<16xi32>
      %sub3A_219 = arith.constant 1 : i32
      %sub3A_220 = vector.broadcast %sub3A_219 : i32 to vector<16xi32>
      %sub3A_221 = arith.subi %get3A_218, %sub3A_220 : vector<16xi32>
      %lt3A_222 = arith.constant 8 : i32
      %lt3A_223 = vector.broadcast %lt3A_222 : i32 to vector<16xi32>
      %lt3A_224 = arith.cmpi ult, %sub3A_221, %lt3A_223 : vector<16xi32>
      %select_n3A_225 = arith.select %lt3A_224, %sub3A_221, %broadcast_in_dim3A_20 : vector<16xi1>, vector<16xi32>
      %swap3A_226 = arith.index_cast %scan3A_107 : i32 to index
      %swap3A_227 = arith.constant 112 : index
      %swap3A_228 = tpu.vector_load %arg6[%swap3A_226, %swap3A_227] {strides = array<i32>} : memref<128x256xi32, #tpu.memory_space<vmem>>, vector<1x16xi32>,
      %swap3A_229 = vector.shape_cast %swap3A_228 : vector<1x16xi32> to vector<16xi32>
      %swap3A_230 = vector.shape_cast %select_n3A_225 : vector<16xi32> to vector<1x16xi32>
      tpu.vector_store %arg6[%swap3A_226, %swap3A_227], %swap3A_230 {strides = array<i32>} : memref<128x256xi32, #tpu.memory_space<vmem>>, vector<1x16xi32>,
      %get3A_231 = arith.index_cast %scan3A_107 : i32 to index
      %get3A_232 = arith.constant 128 : index
      %get3A_233 = tpu.vector_load %arg6[%get3A_231, %get3A_232] {strides = array<i32>} : memref<128x256xi32, #tpu.memory_space<vmem>>, vector<1x16xi32>,
      %get3A_234 = vector.shape_cast %get3A_233 : vector<1x16xi32> to vector<16xi32>
      %sub3A_235 = arith.constant 1 : i32
      %sub3A_236 = vector.broadcast %sub3A_235 : i32 to vector<16xi32>
      %sub3A_237 = arith.subi %get3A_234, %sub3A_236 : vector<16xi32>
      %lt3A_238 = arith.constant 8 : i32
      %lt3A_239 = vector.broadcast %lt3A_238 : i32 to vector<16xi32>
      %lt3A_240 = arith.cmpi ult, %sub3A_237, %lt3A_239 : vector<16xi32>
      %select_n3A_241 = arith.select %lt3A_240, %sub3A_237, %broadcast_in_dim3A_20 : vector<16xi1>, vector<16xi32>
      %swap3A_242 = arith.index_cast %scan3A_107 : i32 to index
      %swap3A_243 = arith.constant 128 : index
      %swap3A_244 = tpu.vector_load %arg6[%swap3A_242, %swap3A_243] {strides = array<i32>} : memref<128x256xi32, #tpu.memory_space<vmem>>, vector<1x16xi32>,
      %swap3A_245 = vector.shape_cast %swap3A_244 : vector<1x16xi32> to vector<16xi32>
      %swap3A_246 = vector.shape_cast %select_n3A_241 : vector<16xi32> to vector<1x16xi32>
      tpu.vector_store %arg6[%swap3A_242, %swap3A_243], %swap3A_246 {strides = array<i32>} : memref<128x256xi32, #tpu.memory_space<vmem>>, vector<1x16xi32>,
      %get3A_247 = arith.index_cast %scan3A_107 : i32 to index
      %get3A_248 = arith.constant 144 : index
      %get3A_249 = tpu.vector_load %arg6[%get3A_247, %get3A_248] {strides = array<i32>} : memref<128x256xi32, #tpu.memory_space<vmem>>, vector<1x16xi32>,
      %get3A_250 = vector.shape_cast %get3A_249 : vector<1x16xi32> to vector<16xi32>
      %sub3A_251 = arith.constant 1 : i32
      %sub3A_252 = vector.broadcast %sub3A_251 : i32 to vector<16xi32>
      %sub3A_253 = arith.subi %get3A_250, %sub3A_252 : vector<16xi32>
      %lt3A_254 = arith.constant 8 : i32
      %lt3A_255 = vector.broadcast %lt3A_254 : i32 to vector<16xi32>
      %lt3A_256 = arith.cmpi ult, %sub3A_253, %lt3A_255 : vector<16xi32>
      %select_n3A_257 = arith.select %lt3A_256, %sub3A_253, %broadcast_in_dim3A_20 : vector<16xi1>, vector<16xi32>
      %swap3A_258 = arith.index_cast %scan3A_107 : i32 to index
      %swap3A_259 = arith.constant 144 : index
      %swap3A_260 = tpu.vector_load %arg6[%swap3A_258, %swap3A_259] {strides = array<i32>} : memref<128x256xi32, #tpu.memory_space<vmem>>, vector<1x16xi32>,
      %swap3A_261 = vector.shape_cast %swap3A_260 : vector<1x16xi32> to vector<16xi32>
      %swap3A_262 = vector.shape_cast %select_n3A_257 : vector<16xi32> to vector<1x16xi32>
      tpu.vector_store %arg6[%swap3A_258, %swap3A_259], %swap3A_262 {strides = array<i32>} : memref<128x256xi32, #tpu.memory_space<vmem>>, vector<1x16xi32>,
      %get3A_263 = arith.index_cast %scan3A_107 : i32 to index
      %get3A_264 = arith.constant 160 : index
      %get3A_265 = tpu.vector_load %arg6[%get3A_263, %get3A_264] {strides = array<i32>} : memref<128x256xi32, #tpu.memory_space<vmem>>, vector<1x16xi32>,
      %get3A_266 = vector.shape_cast %get3A_265 : vector<1x16xi32> to vector<16xi32>
      %sub3A_267 = arith.constant 1 : i32
      %sub3A_268 = vector.broadcast %sub3A_267 : i32 to vector<16xi32>
      %sub3A_269 = arith.subi %get3A_266, %sub3A_268 : vector<16xi32>
      %lt3A_270 = arith.constant 8 : i32
      %lt3A_271 = vector.broadcast %lt3A_270 : i32 to vector<16xi32>
      %lt3A_272 = arith.cmpi ult, %sub3A_269, %lt3A_271 : vector<16xi32>
      %select_n3A_273 = arith.select %lt3A_272, %sub3A_269, %broadcast_in_dim3A_20 : vector<16xi1>, vector<16xi32>
      %swap3A_274 = arith.index_cast %scan3A_107 : i32 to index
      %swap3A_275 = arith.constant 160 : index
      %swap3A_276 = tpu.vector_load %arg6[%swap3A_274, %swap3A_275] {strides = array<i32>} : memref<128x256xi32, #tpu.memory_space<vmem>>, vector<1x16xi32>,
      %swap3A_277 = vector.shape_cast %swap3A_276 : vector<1x16xi32> to vector<16xi32>
      %swap3A_278 = vector.shape_cast %select_n3A_273 : vector<16xi32> to vector<1x16xi32>
      tpu.vector_store %arg6[%swap3A_274, %swap3A_275], %swap3A_278 {strides = array<i32>} : memref<128x256xi32, #tpu.memory_space<vmem>>, vector<1x16xi32>,
      %get3A_279 = arith.index_cast %scan3A_107 : i32 to index
      %get3A_280 = arith.constant 176 : index
      %get3A_281 = tpu.vector_load %arg6[%get3A_279, %get3A_280] {strides = array<i32>} : memref<128x256xi32, #tpu.memory_space<vmem>>, vector<1x16xi32>,
      %get3A_282 = vector.shape_cast %get3A_281 : vector<1x16xi32> to vector<16xi32>
      %sub3A_283 = arith.constant 1 : i32
      %sub3A_284 = vector.broadcast %sub3A_283 : i32 to vector<16xi32>
      %sub3A_285 = arith.subi %get3A_282, %sub3A_284 : vector<16xi32>
      %lt3A_286 = arith.constant 8 : i32
      %lt3A_287 = vector.broadcast %lt3A_286 : i32 to vector<16xi32>
      %lt3A_288 = arith.cmpi ult, %sub3A_285, %lt3A_287 : vector<16xi32>
      %select_n3A_289 = arith.select %lt3A_288, %sub3A_285, %broadcast_in_dim3A_20 : vector<16xi1>, vector<16xi32>
      %swap3A_290 = arith.index_cast %scan3A_107 : i32 to index
      %swap3A_291 = arith.constant 176 : index
      %swap3A_292 = tpu.vector_load %arg6[%swap3A_290, %swap3A_291] {strides = array<i32>} : memref<128x256xi32, #tpu.memory_space<vmem>>, vector<1x16xi32>,
      %swap3A_293 = vector.shape_cast %swap3A_292 : vector<1x16xi32> to vector<16xi32>
      %swap3A_294 = vector.shape_cast %select_n3A_289 : vector<16xi32> to vector<1x16xi32>
      tpu.vector_store %arg6[%swap3A_290, %swap3A_291], %swap3A_294 {strides = array<i32>} : memref<128x256xi32, #tpu.memory_space<vmem>>, vector<1x16xi32>,
      %get3A_295 = arith.index_cast %scan3A_107 : i32 to index
      %get3A_296 = arith.constant 192 : index
      %get3A_297 = tpu.vector_load %arg6[%get3A_295, %get3A_296] {strides = array<i32>} : memref<128x256xi32, #tpu.memory_space<vmem>>, vector<1x16xi32>,
      %get3A_298 = vector.shape_cast %get3A_297 : vector<1x16xi32> to vector<16xi32>
      %sub3A_299 = arith.constant 1 : i32
      %sub3A_300 = vector.broadcast %sub3A_299 : i32 to vector<16xi32>
      %sub3A_301 = arith.subi %get3A_298, %sub3A_300 : vector<16xi32>
      %lt3A_302 = arith.constant 8 : i32
      %lt3A_303 = vector.broadcast %lt3A_302 : i32 to vector<16xi32>
      %lt3A_304 = arith.cmpi ult, %sub3A_301, %lt3A_303 : vector<16xi32>
      %select_n3A_305 = arith.select %lt3A_304, %sub3A_301, %broadcast_in_dim3A_20 : vector<16xi1>, vector<16xi32>
      %swap3A_306 = arith.index_cast %scan3A_107 : i32 to index
      %swap3A_307 = arith.constant 192 : index
      %swap3A_308 = tpu.vector_load %arg6[%swap3A_306, %swap3A_307] {strides = array<i32>} : memref<128x256xi32, #tpu.memory_space<vmem>>, vector<1x16xi32>,
      %swap3A_309 = vector.shape_cast %swap3A_308 : vector<1x16xi32> to vector<16xi32>
      %swap3A_310 = vector.shape_cast %select_n3A_305 : vector<16xi32> to vector<1x16xi32>
      tpu.vector_store %arg6[%swap3A_306, %swap3A_307], %swap3A_310 {strides = array<i32>} : memref<128x256xi32, #tpu.memory_space<vmem>>, vector<1x16xi32>,
      %get3A_311 = arith.index_cast %scan3A_107 : i32 to index
      %get3A_312 = arith.constant 208 : index
      %get3A_313 = tpu.vector_load %arg6[%get3A_311, %get3A_312] {strides = array<i32>} : memref<128x256xi32, #tpu.memory_space<vmem>>, vector<1x16xi32>,
      %get3A_314 = vector.shape_cast %get3A_313 : vector<1x16xi32> to vector<16xi32>
      %sub3A_315 = arith.constant 1 : i32
      %sub3A_316 = vector.broadcast %sub3A_315 : i32 to vector<16xi32>
      %sub3A_317 = arith.subi %get3A_314, %sub3A_316 : vector<16xi32>
      %lt3A_318 = arith.constant 8 : i32
      %lt3A_319 = vector.broadcast %lt3A_318 : i32 to vector<16xi32>
      %lt3A_320 = arith.cmpi ult, %sub3A_317, %lt3A_319 : vector<16xi32>
      %select_n3A_321 = arith.select %lt3A_320, %sub3A_317, %broadcast_in_dim3A_20 : vector<16xi1>, vector<16xi32>
      %swap3A_322 = arith.index_cast %scan3A_107 : i32 to index
      %swap3A_323 = arith.constant 208 : index
      %swap3A_324 = tpu.vector_load %arg6[%swap3A_322, %swap3A_323] {strides = array<i32>} : memref<128x256xi32, #tpu.memory_space<vmem>>, vector<1x16xi32>,
      %swap3A_325 = vector.shape_cast %swap3A_324 : vector<1x16xi32> to vector<16xi32>
      %swap3A_326 = vector.shape_cast %select_n3A_321 : vector<16xi32> to vector<1x16xi32>
      tpu.vector_store %arg6[%swap3A_322, %swap3A_323], %swap3A_326 {strides = array<i32>} : memref<128x256xi32, #tpu.memory_space<vmem>>, vector<1x16xi32>,
      %get3A_327 = arith.index_cast %scan3A_107 : i32 to index
      %get3A_328 = arith.constant 224 : index
      %get3A_329 = tpu.vector_load %arg6[%get3A_327, %get3A_328] {strides = array<i32>} : memref<128x256xi32, #tpu.memory_space<vmem>>, vector<1x16xi32>,
      %get3A_330 = vector.shape_cast %get3A_329 : vector<1x16xi32> to vector<16xi32>
      %sub3A_331 = arith.constant 1 : i32
      %sub3A_332 = vector.broadcast %sub3A_331 : i32 to vector<16xi32>
      %sub3A_333 = arith.subi %get3A_330, %sub3A_332 : vector<16xi32>
      %lt3A_334 = arith.constant 8 : i32
      %lt3A_335 = vector.broadcast %lt3A_334 : i32 to vector<16xi32>
      %lt3A_336 = arith.cmpi ult, %sub3A_333, %lt3A_335 : vector<16xi32>
      %select_n3A_337 = arith.select %lt3A_336, %sub3A_333, %broadcast_in_dim3A_20 : vector<16xi1>, vector<16xi32>
      %swap3A_338 = arith.index_cast %scan3A_107 : i32 to index
      %swap3A_339 = arith.constant 224 : index
      %swap3A_340 = tpu.vector_load %arg6[%swap3A_338, %swap3A_339] {strides = array<i32>} : memref<128x256xi32, #tpu.memory_space<vmem>>, vector<1x16xi32>,
      %swap3A_341 = vector.shape_cast %swap3A_340 : vector<1x16xi32> to vector<16xi32>
      %swap3A_342 = vector.shape_cast %select_n3A_337 : vector<16xi32> to vector<1x16xi32>
      tpu.vector_store %arg6[%swap3A_338, %swap3A_339], %swap3A_342 {strides = array<i32>} : memref<128x256xi32, #tpu.memory_space<vmem>>, vector<1x16xi32>,
      %get3A_343 = arith.index_cast %scan3A_107 : i32 to index
      %get3A_344 = arith.constant 240 : index
      %get3A_345 = tpu.vector_load %arg6[%get3A_343, %get3A_344] {strides = array<i32>} : memref<128x256xi32, #tpu.memory_space<vmem>>, vector<1x16xi32>,
      %get3A_346 = vector.shape_cast %get3A_345 : vector<1x16xi32> to vector<16xi32>
      %sub3A_347 = arith.constant 1 : i32
      %sub3A_348 = vector.broadcast %sub3A_347 : i32 to vector<16xi32>
      %sub3A_349 = arith.subi %get3A_346, %sub3A_348 : vector<16xi32>
      %lt3A_350 = arith.constant 8 : i32
      %lt3A_351 = vector.broadcast %lt3A_350 : i32 to vector<16xi32>
      %lt3A_352 = arith.cmpi ult, %sub3A_349, %lt3A_351 : vector<16xi32>
      %select_n3A_353 = arith.select %lt3A_352, %sub3A_349, %broadcast_in_dim3A_20 : vector<16xi1>, vector<16xi32>
      %swap3A_354 = arith.index_cast %scan3A_107 : i32 to index
      %swap3A_355 = arith.constant 240 : index
      %swap3A_356 = tpu.vector_load %arg6[%swap3A_354, %swap3A_355] {strides = array<i32>} : memref<128x256xi32, #tpu.memory_space<vmem>>, vector<1x16xi32>,
      %swap3A_357 = vector.shape_cast %swap3A_356 : vector<1x16xi32> to vector<16xi32>
      %swap3A_358 = vector.shape_cast %select_n3A_353 : vector<16xi32> to vector<1x16xi32>
      tpu.vector_store %arg6[%swap3A_354, %swap3A_355], %swap3A_358 {strides = array<i32>} : memref<128x256xi32, #tpu.memory_space<vmem>>, vector<1x16xi32>,
    }
    %scan3A_28 = arith.constant 128 : i32
    %dma_start3A_29 = arith.constant 0 : i32
    %dma_start3A_30 = tpu.memref_slice %arg4[%mul3A_2, %dma_start3A_29] : memref<4096x256xi32, #tpu.memory_space<hbm>> -> memref<128x256xi32, #tpu.memory_space<hbm>>
    %dma_start3A_31 = arith.constant 0 : i32
    %dma_start3A_32 = tpu.memref_slice %arg4[%mul3A_2, %dma_start3A_31] : memref<4096x256xi32, #tpu.memory_space<hbm>> -> memref<128x256xi32, #tpu.memory_space<hbm>>
    tpu.enqueue_dma source(%arg6 : memref<128x256xi32, #tpu.memory_space<vmem>>) target(%dma_start3A_32 : memref<128x256xi32, #tpu.memory_space<hbm>>) target_semaphore(%arg10 : memref<!tpu.dma_semaphore, #tpu.memory_space<semaphore_mem>>)
    %dma_wait3A_33 = arith.constant 0 : i32
    %dma_wait3A_34 = arith.constant 0 : i32
    %dma_wait3A_35 = tpu.memref_slice %arg3[%dma_wait3A_33, %mul3A_2, %dma_wait3A_34] : memref<3x4096x256xf32, #tpu.memory_space<hbm>> -> memref<1x128x256xf32, #tpu.memory_space<hbm>>
    %dma_wait3A_36 = tpu.memref_squeeze %dma_wait3A_35 : memref<1x128x256xf32, #tpu.memory_space<hbm>> -> memref<128x256xf32, #tpu.memory_space<hbm>>
    %dma_wait3A_37 = arith.constant 0 : i32
    %dma_wait3A_38 = tpu.memref_slice %arg3[%dma_wait3A_33, %mul3A_2, %dma_wait3A_37] : memref<3x4096x256xf32, #tpu.memory_space<hbm>> -> memref<1x128x256xf32, #tpu.memory_space<hbm>>
    %dma_wait3A_39 = tpu.memref_squeeze %dma_wait3A_38 : memref<1x128x256xf32, #tpu.memory_space<hbm>> -> memref<128x256xf32, #tpu.memory_space<hbm>>
    tpu.wait_dma2 semaphore(%arg11 : memref<!tpu.dma_semaphore, #tpu.memory_space<semaphore_mem>>) src(%dma_wait3A_39 : memref<128x256xf32, #tpu.memory_space<hbm>>) dst(%arg7 : memref<128x256xf32, #tpu.memory_space<vmem>>)
    %dma_start3A_40 = arith.constant 0 : i32
    %dma_start3A_41 = arith.constant 0 : i32
    %dma_start3A_42 = tpu.memref_slice %arg5[%dma_start3A_40, %mul3A_2, %dma_start3A_41] : memref<3x4096x256xf32, #tpu.memory_space<hbm>> -> memref<1x128x256xf32, #tpu.memory_space<hbm>>
    %dma_start3A_43 = tpu.memref_squeeze %dma_start3A_42 : memref<1x128x256xf32, #tpu.memory_space<hbm>> -> memref<128x256xf32, #tpu.memory_space<hbm>>
    %dma_start3A_44 = arith.constant 0 : i32
    %dma_start3A_45 = tpu.memref_slice %arg5[%dma_start3A_40, %mul3A_2, %dma_start3A_44] : memref<3x4096x256xf32, #tpu.memory_space<hbm>> -> memref<1x128x256xf32, #tpu.memory_space<hbm>>
    %dma_start3A_46 = tpu.memref_squeeze %dma_start3A_45 : memref<1x128x256xf32, #tpu.memory_space<hbm>> -> memref<128x256xf32, #tpu.memory_space<hbm>>
    tpu.enqueue_dma source(%arg7 : memref<128x256xf32, #tpu.memory_space<vmem>>) target(%dma_start3A_46 : memref<128x256xf32, #tpu.memory_space<hbm>>) target_semaphore(%arg13 : memref<!tpu.dma_semaphore, #tpu.memory_space<semaphore_mem>>)
    %dma_wait3A_47 = arith.constant 1 : i32
    %dma_wait3A_48 = arith.constant 0 : i32
    %dma_wait3A_49 = tpu.memref_slice %arg3[%dma_wait3A_47, %mul3A_2, %dma_wait3A_48] : memref<3x4096x256xf32, #tpu.memory_space<hbm>> -> memref<1x128x256xf32, #tpu.memory_space<hbm>>
    %dma_wait3A_50 = tpu.memref_squeeze %dma_wait3A_49 : memref<1x128x256xf32, #tpu.memory_space<hbm>> -> memref<128x256xf32, #tpu.memory_space<hbm>>
    %dma_wait3A_51 = arith.constant 0 : i32
    %dma_wait3A_52 = tpu.memref_slice %arg3[%dma_wait3A_47, %mul3A_2, %dma_wait3A_51] : memref<3x4096x256xf32, #tpu.memory_space<hbm>> -> memref<1x128x256xf32, #tpu.memory_space<hbm>>
    %dma_wait3A_53 = tpu.memref_squeeze %dma_wait3A_52 : memref<1x128x256xf32, #tpu.memory_space<hbm>> -> memref<128x256xf32, #tpu.memory_space<hbm>>
    tpu.wait_dma2 semaphore(%arg12 : memref<!tpu.dma_semaphore, #tpu.memory_space<semaphore_mem>>) src(%dma_wait3A_53 : memref<128x256xf32, #tpu.memory_space<hbm>>) dst(%arg8 : memref<128x256xf32, #tpu.memory_space<vmem>>)
    %dma_start3A_54 = arith.constant 1 : i32
    %dma_start3A_55 = arith.constant 0 : i32
    %dma_start3A_56 = tpu.memref_slice %arg5[%dma_start3A_54, %mul3A_2, %dma_start3A_55] : memref<3x4096x256xf32, #tpu.memory_space<hbm>> -> memref<1x128x256xf32, #tpu.memory_space<hbm>>
    %dma_start3A_57 = tpu.memref_squeeze %dma_start3A_56 : memref<1x128x256xf32, #tpu.memory_space<hbm>> -> memref<128x256xf32, #tpu.memory_space<hbm>>
    %dma_start3A_58 = arith.constant 0 : i32
    %dma_start3A_59 = tpu.memref_slice %arg5[%dma_start3A_54, %mul3A_2, %dma_start3A_58] : memref<3x4096x256xf32, #tpu.memory_space<hbm>> -> memref<1x128x256xf32, #tpu.memory_space<hbm>>
    %dma_start3A_60 = tpu.memref_squeeze %dma_start3A_59 : memref<1x128x256xf32, #tpu.memory_space<hbm>> -> memref<128x256xf32, #tpu.memory_space<hbm>>
    tpu.enqueue_dma source(%arg8 : memref<128x256xf32, #tpu.memory_space<vmem>>) target(%dma_start3A_60 : memref<128x256xf32, #tpu.memory_space<hbm>>) target_semaphore(%arg14 : memref<!tpu.dma_semaphore, #tpu.memory_space<semaphore_mem>>)
    %dma_wait3A_61 = arith.constant 0 : i32
    %dma_wait3A_62 = arith.constant 0 : i32
    %dma_wait3A_63 = tpu.memref_slice %arg5[%dma_wait3A_61, %mul3A_2, %dma_wait3A_62] : memref<3x4096x256xf32, #tpu.memory_space<hbm>> -> memref<1x128x256xf32, #tpu.memory_space<hbm>>
    %dma_wait3A_64 = tpu.memref_squeeze %dma_wait3A_63 : memref<1x128x256xf32, #tpu.memory_space<hbm>> -> memref<128x256xf32, #tpu.memory_space<hbm>>
    %dma_wait3A_65 = arith.constant 0 : i32
    %dma_wait3A_66 = tpu.memref_slice %arg5[%dma_wait3A_61, %mul3A_2, %dma_wait3A_65] : memref<3x4096x256xf32, #tpu.memory_space<hbm>> -> memref<1x128x256xf32, #tpu.memory_space<hbm>>
    %dma_wait3A_67 = tpu.memref_squeeze %dma_wait3A_66 : memref<1x128x256xf32, #tpu.memory_space<hbm>> -> memref<128x256xf32, #tpu.memory_space<hbm>>
    tpu.wait_dma2 semaphore(%arg13 : memref<!tpu.dma_semaphore, #tpu.memory_space<semaphore_mem>>) src(%arg7 : memref<128x256xf32, #tpu.memory_space<vmem>>) dst(%dma_wait3A_67 : memref<128x256xf32, #tpu.memory_space<hbm>>)
    %dma_start3A_68 = arith.constant 2 : i32
    %dma_start3A_69 = arith.constant 0 : i32
    %dma_start3A_70 = tpu.memref_slice %arg3[%dma_start3A_68, %mul3A_2, %dma_start3A_69] : memref<3x4096x256xf32, #tpu.memory_space<hbm>> -> memref<1x128x256xf32, #tpu.memory_space<hbm>>
    %dma_start3A_71 = tpu.memref_squeeze %dma_start3A_70 : memref<1x128x256xf32, #tpu.memory_space<hbm>> -> memref<128x256xf32, #tpu.memory_space<hbm>>
    %dma_start3A_72 = arith.constant 0 : i32
    %dma_start3A_73 = tpu.memref_slice %arg3[%dma_start3A_68, %mul3A_2, %dma_start3A_72] : memref<3x4096x256xf32, #tpu.memory_space<hbm>> -> memref<1x128x256xf32, #tpu.memory_space<hbm>>
    %dma_start3A_74 = tpu.memref_squeeze %dma_start3A_73 : memref<1x128x256xf32, #tpu.memory_space<hbm>> -> memref<128x256xf32, #tpu.memory_space<hbm>>
    tpu.enqueue_dma source(%dma_start3A_74 : memref<128x256xf32, #tpu.memory_space<hbm>>) target(%arg7 : memref<128x256xf32, #tpu.memory_space<vmem>>) target_semaphore(%arg11 : memref<!tpu.dma_semaphore, #tpu.memory_space<semaphore_mem>>)
    %dma_wait3A_75 = arith.constant 2 : i32
    %dma_wait3A_76 = arith.constant 0 : i32
    %dma_wait3A_77 = tpu.memref_slice %arg3[%dma_wait3A_75, %mul3A_2, %dma_wait3A_76] : memref<3x4096x256xf32, #tpu.memory_space<hbm>> -> memref<1x128x256xf32, #tpu.memory_space<hbm>>
    %dma_wait3A_78 = tpu.memref_squeeze %dma_wait3A_77 : memref<1x128x256xf32, #tpu.memory_space<hbm>> -> memref<128x256xf32, #tpu.memory_space<hbm>>
    %dma_wait3A_79 = arith.constant 0 : i32
    %dma_wait3A_80 = tpu.memref_slice %arg3[%dma_wait3A_75, %mul3A_2, %dma_wait3A_79] : memref<3x4096x256xf32, #tpu.memory_space<hbm>> -> memref<1x128x256xf32, #tpu.memory_space<hbm>>
    %dma_wait3A_81 = tpu.memref_squeeze %dma_wait3A_80 : memref<1x128x256xf32, #tpu.memory_space<hbm>> -> memref<128x256xf32, #tpu.memory_space<hbm>>
    tpu.wait_dma2 semaphore(%arg11 : memref<!tpu.dma_semaphore, #tpu.memory_space<semaphore_mem>>) src(%dma_wait3A_81 : memref<128x256xf32, #tpu.memory_space<hbm>>) dst(%arg7 : memref<128x256xf32, #tpu.memory_space<vmem>>)
    %dma_start3A_82 = arith.constant 2 : i32
    %dma_start3A_83 = arith.constant 0 : i32
    %dma_start3A_84 = tpu.memref_slice %arg5[%dma_start3A_82, %mul3A_2, %dma_start3A_83] : memref<3x4096x256xf32, #tpu.memory_space<hbm>> -> memref<1x128x256xf32, #tpu.memory_space<hbm>>
    %dma_start3A_85 = tpu.memref_squeeze %dma_start3A_84 : memref<1x128x256xf32, #tpu.memory_space<hbm>> -> memref<128x256xf32, #tpu.memory_space<hbm>>
    %dma_start3A_86 = arith.constant 0 : i32
    %dma_start3A_87 = tpu.memref_slice %arg5[%dma_start3A_82, %mul3A_2, %dma_start3A_86] : memref<3x4096x256xf32, #tpu.memory_space<hbm>> -> memref<1x128x256xf32, #tpu.memory_space<hbm>>
    %dma_start3A_88 = tpu.memref_squeeze %dma_start3A_87 : memref<1x128x256xf32, #tpu.memory_space<hbm>> -> memref<128x256xf32, #tpu.memory_space<hbm>>
    tpu.enqueue_dma source(%arg7 : memref<128x256xf32, #tpu.memory_space<vmem>>) target(%dma_start3A_88 : memref<128x256xf32, #tpu.memory_space<hbm>>) target_semaphore(%arg13 : memref<!tpu.dma_semaphore, #tpu.memory_space<semaphore_mem>>)
    %dma_wait3A_89 = arith.constant 1 : i32
    %dma_wait3A_90 = arith.constant 0 : i32
    %dma_wait3A_91 = tpu.memref_slice %arg5[%dma_wait3A_89, %mul3A_2, %dma_wait3A_90] : memref<3x4096x256xf32, #tpu.memory_space<hbm>> -> memref<1x128x256xf32, #tpu.memory_space<hbm>>
    %dma_wait3A_92 = tpu.memref_squeeze %dma_wait3A_91 : memref<1x128x256xf32, #tpu.memory_space<hbm>> -> memref<128x256xf32, #tpu.memory_space<hbm>>
    %dma_wait3A_93 = arith.constant 0 : i32
    %dma_wait3A_94 = tpu.memref_slice %arg5[%dma_wait3A_89, %mul3A_2, %dma_wait3A_93] : memref<3x4096x256xf32, #tpu.memory_space<hbm>> -> memref<1x128x256xf32, #tpu.memory_space<hbm>>
    %dma_wait3A_95 = tpu.memref_squeeze %dma_wait3A_94 : memref<1x128x256xf32, #tpu.memory_space<hbm>> -> memref<128x256xf32, #tpu.memory_space<hbm>>
    tpu.wait_dma2 semaphore(%arg14 : memref<!tpu.dma_semaphore, #tpu.memory_space<semaphore_mem>>) src(%arg8 : memref<128x256xf32, #tpu.memory_space<vmem>>) dst(%dma_wait3A_95 : memref<128x256xf32, #tpu.memory_space<hbm>>)
    %dma_wait3A_96 = arith.constant 2 : i32
    %dma_wait3A_97 = arith.constant 0 : i32
    %dma_wait3A_98 = tpu.memref_slice %arg5[%dma_wait3A_96, %mul3A_2, %dma_wait3A_97] : memref<3x4096x256xf32, #tpu.memory_space<hbm>> -> memref<1x128x256xf32, #tpu.memory_space<hbm>>
    %dma_wait3A_99 = tpu.memref_squeeze %dma_wait3A_98 : memref<1x128x256xf32, #tpu.memory_space<hbm>> -> memref<128x256xf32, #tpu.memory_space<hbm>>
    %dma_wait3A_100 = arith.constant 0 : i32
    %dma_wait3A_101 = tpu.memref_slice %arg5[%dma_wait3A_96, %mul3A_2, %dma_wait3A_100] : memref<3x4096x256xf32, #tpu.memory_space<hbm>> -> memref<1x128x256xf32, #tpu.memory_space<hbm>>
    %dma_wait3A_102 = tpu.memref_squeeze %dma_wait3A_101 : memref<1x128x256xf32, #tpu.memory_space<hbm>> -> memref<128x256xf32, #tpu.memory_space<hbm>>
    tpu.wait_dma2 semaphore(%arg13 : memref<!tpu.dma_semaphore, #tpu.memory_space<semaphore_mem>>) src(%arg7 : memref<128x256xf32, #tpu.memory_space<vmem>>) dst(%dma_wait3A_102 : memref<128x256xf32, #tpu.memory_space<hbm>>)
    %dma_wait3A_103 = arith.constant 0 : i32
    %dma_wait3A_104 = tpu.memref_slice %arg4[%mul3A_2, %dma_wait3A_103] : memref<4096x256xi32, #tpu.memory_space<hbm>> -> memref<128x256xi32, #tpu.memory_space<hbm>>
    %dma_wait3A_105 = arith.constant 0 : i32
    %dma_wait3A_106 = tpu.memref_slice %arg4[%mul3A_2, %dma_wait3A_105] : memref<4096x256xi32, #tpu.memory_space<hbm>> -> memref<128x256xi32, #tpu.memory_space<hbm>>
    tpu.wait_dma2 semaphore(%arg10 : memref<!tpu.dma_semaphore, #tpu.memory_space<semaphore_mem>>) src(%arg6 : memref<128x256xi32, #tpu.memory_space<vmem>>) dst(%dma_wait3A_106 : memref<128x256xi32, #tpu.memory_space<hbm>>)
    return
  }
}

</mosaic_0001>

<sc_bundles>
// kernel: kernel.3.cloned.1.call-start
scs
__scs_entry_jumppad:
0x0: {  	(pc) =	sbr.rel $0x88, $3  }
0x1: {  	(tag) =	ssettag $0x0;
	lr =	simm.s32 $0x1  }
0x2: {  	[smem:$0x3F9F] =	sst lr;
	_ =	strace $0xD0000000  }
0x3: {  	_ = 	snop  }
0x4: {  	_ = 	snop  }
0x5: {  	_ = 	snop  }
0x6: {  	_ = 	snop  }
0x7: {  	_ = 	snop  }
__scs_overlays_trampoline_lowered:
0x8: {  	[smem:$0x3FAE] =	sst s0  }
0x9: {  	[smem:$0x3FAF] =	sst s1  }
0xa: {  	[smem:$0x3FB0] =	sst s2  }
0xb: {  	[smem:$0x3FB1] =	sst s3  }
0xc: {  	[smem:$0x3FB2] =	sst s4  }
0xd: {  	[smem:$0x3FB3] =	sst s5  }
0xe: {  	[smem:$0x3FB4] =	sst s6  }
0xf: {  	[smem:$0x3FB5] =	sst s7  }
0x10: {  	[smem:$0x3FB6] =	sst s8  }
0x11: {  	[smem:$0x3FB7] =	sst s9;
	s0 =	simm.s32 @!p0 $0x0  }
0x12: {  	s1 =	sld [smem:$0x3F9D];
	s0 =	simm.s32 @p0 $0x1  }
0x13: {  	[smem:$0x3FB8] =	sst s0;
	s0 =	simm.s32 @!p1 $0x0  }
0x14: {  	s2 =	sld [smem:$0x3F9C];
	s0 =	simm.s32 @p1 $0x1  }
0x15: {  	[smem:$0x3FB9] =	sst s0;
	s0 =	simm.s32 @!p2 $0x0  }
0x16: {  	s3 =	sld [smem:$0x3FDB];
	s0 =	simm.s32 @p2 $0x1  }
0x17: {  	s4 =	simm.s32 $0x1BF5;
	[smem:$0x3FBB] =	sst s0  }
0x18: {  	s0 =	sld [smem:$0x3F9E];
	_ =	swait.ge [sflag:s4], $0x0  }
0x19: {  	s7 =	sld [smem:$0x3F9F]  }
0x1a: {  	s8 =	sadd.s32 $0xFFFFE003, lr  }
0x1b: {  	s9 =	sadd.s32 $0xFFFFFEF7, lr;
	s5 =	simm.s32 $0xFFFFFFFF;
	p2 =	slt.u32 s8, $0xFFFFF086  }
0x1c: {  	p1 =	slt.u32 s9, $0xF7A;
	s5 =	simm.s32 @!p2 $0x0  }
0x1d: {  	s5 =	simm.s32 @p1 $0x1;
	p0 =	seq.s32 s7, s2  }
0x1e: {  	s7 =	smul.u32 @!p0 $0xF7A, s2;
	p2 =	seq.s32 @!p0 s5, $0x0  }
0x1f: {  	s9 =	smul.u32 $0xF7A, s1;
	s8 =	simm.s32 @!p0 $0x1BF5;
	p2 =	por !p2, p0  }
0x20: {  	[sflag:s8] =	ssyncset.s32 @!p0 $0xFFFFF086;
	s6 =	sadd.s32 @!p0 s3, s7;
	s7 =	simm.s32 @!p0 $0x108  }
0x21: {  	s3 =	sadd.s32 s3, s9;
	s6 =	sadd.s32 @!p0 $0x88, s6;
	s7 =	simm.s32 @p2 $0x1082  }
0x22: {  	[simem:s7], [sflag:s8] =	dma.local @!p0 [hbm:s6], $0xF7A  }
0x23: {  	s9 =	sor.u32 $0xD0000000, s2;
	s6 =	simm.s32 $0x108;
	_ =	swait.ge @!p0 [sflag:s8], $0x0  }
0x24: {  	s3 =	sadd.s32 $0x88, s3;
	s6 =	simm.s32 @!p1 $0x1082;
	[sflag:s4] =	ssyncset.s32 $0xFFFFF086  }
0x25: {  	[simem:s6], [sflag:s4] =	dma.local [hbm:s3], $0xF7A  }
0x26: {  	[smem:$0x3F9F] =	sst s1;
	(tag) =	ssettag s2;
	_ =	strace s9  }
0x27: {  	s1 =	sld [smem:$0x3FAF]  }
0x28: {  	s2 =	sld [smem:$0x3FB0]  }
0x29: {  	s4 =	sld [smem:$0x3FB2]  }
0x2a: {  	p0 =	seq.s32 s5, $0x0;
	s5 =	sld [smem:$0x3FB3]  }
0x2b: {  	s6 =	sld [smem:$0x3FB4]  }
0x2c: {  	s7 =	sld [smem:$0x3FB5]  }
0x2d: {  	s3 =	simm.s32 $0x108;
	s8 =	sld [smem:$0x3FB6]  }
0x2e: {  	s3 =	simm.s32 @!p0 $0x1082;
	s9 =	sld [smem:$0x3FB7]  }
0x2f: {  	lr =	sadd.s32 s0, s3;
	s0 =	sld [smem:$0x3FAE]  }
0x30: {  	s3 =	sld [smem:$0x3FB1]  }
0x31: {  	[smem:$0x3FBA] =	sst s10  }
0x32: {  	s10 =	sld [smem:$0x3FB8];
	_ =	sdelay $0x3  }
0x33: {  	p0 =	seq.s32 s10, $0x1;
	s10 =	sld [smem:$0x3FBA];
	_ =	sdelay $0x3  }
0x34: {  	[smem:$0x3FBA] =	sst s10  }
0x35: {  	s10 =	sld [smem:$0x3FB9];
	_ =	sdelay $0x3  }
0x36: {  	p1 =	seq.s32 s10, $0x1;
	s10 =	sld [smem:$0x3FBA];
	_ =	sdelay $0x3  }
0x37: {  	[smem:$0x3FBA] =	sst s10  }
0x38: {  	s10 =	sld [smem:$0x3FBB]  }
0x39: {  	_ = 	snop;
	(pc) =	sbr.ind lr, $3  }
0x3a: {  	_ = 	snop  }
0x3b: {  	_ = 	snop  }
0x3c: {  	p2 =	seq.s32 s10, $0x1;
	s10 =	sld [smem:$0x3FBA]  }
0x3d: {  	_ =	shalt  }
0x3e: {  	_ =	shalt  }
0x3f: {  	_ =	shalt  }
0x40: {  	_ =	shalt  }
0x41: {  	_ =	shalt  }
0x42: {  	_ =	shalt  }
0x43: {  	_ =	shalt  }
0x44: {  	_ =	shalt  }
0x45: {  	_ =	shalt  }
0x46: {  	_ =	shalt  }
0x47: {  	_ =	shalt  }
0x48: {  	_ =	shalt  }
0x49: {  	_ =	shalt  }
0x4a: {  	_ =	shalt  }
0x4b: {  	_ =	shalt  }
0x4c: {  	_ =	shalt  }
0x4d: {  	_ =	shalt  }
0x4e: {  	_ =	shalt  }
0x4f: {  	_ =	shalt  }
0x50: {  	_ =	shalt  }
0x51: {  	_ =	shalt  }
0x52: {  	_ =	shalt  }
0x53: {  	_ =	shalt  }
0x54: {  	_ =	shalt  }
0x55: {  	_ =	shalt  }
0x56: {  	_ =	shalt  }
0x57: {  	_ =	shalt  }
0x58: {  	_ =	shalt  }
0x59: {  	_ =	shalt  }
0x5a: {  	_ =	shalt  }
0x5b: {  	_ =	shalt  }
0x5c: {  	_ =	shalt  }
0x5d: {  	_ =	shalt  }
0x5e: {  	_ =	shalt  }
0x5f: {  	_ =	shalt  }
0x60: {  	_ =	shalt  }
0x61: {  	_ =	shalt  }
0x62: {  	_ =	shalt  }
0x63: {  	_ =	shalt  }
0x64: {  	_ =	shalt  }
0x65: {  	_ =	shalt  }
0x66: {  	_ =	shalt  }
0x67: {  	_ =	shalt  }
0x68: {  	_ =	shalt  }
0x69: {  	_ =	shalt  }
0x6a: {  	_ =	shalt  }
0x6b: {  	_ =	shalt  }
0x6c: {  	_ =	shalt  }
0x6d: {  	_ =	shalt  }
0x6e: {  	_ =	shalt  }
0x6f: {  	_ =	shalt  }
0x70: {  	_ =	shalt  }
0x71: {  	_ =	shalt  }
0x72: {  	_ =	shalt  }
0x73: {  	_ =	shalt  }
0x74: {  	_ =	shalt  }
0x75: {  	_ =	shalt  }
0x76: {  	_ =	shalt  }
0x77: {  	_ =	shalt  }
0x78: {  	_ =	shalt  }
0x79: {  	_ =	shalt  }
0x7a: {  	_ =	shalt  }
0x7b: {  	_ =	shalt  }
0x7c: {  	_ =	shalt  }
0x7d: {  	_ =	shalt  }
0x7e: {  	_ =	shalt  }
0x7f: {  	_ =	shalt  }
0x80: {  	_ =	shalt  }
0x81: {  	_ =	shalt  }
0x82: {  	_ =	shalt  }
0x83: {  	_ =	shalt  }
0x84: {  	_ =	shalt  }
0x85: {  	_ =	shalt  }
0x86: {  	_ =	shalt  }
0x87: {  	_ =	shalt  }
.Lfunc_end0:
.L_simem_size_0:
called_computation_lowered:
.L_overlay_start_0:
0x88: {  	s2 =	sld [smem:$0x3FD9]  }
0x89: {  	s3 =	sld [smem:$0x3FFE];
	_ =	sdelay $0x1  }
0x8a: {  	s1 =	srdreg.scid  }
0x8b: {  	s0 =	sand.u32 $0x1, s1  }
0x8c: {  	s15 =	sshll.u32 s0, $0xA;
	s2 =	sadd.s32 s3, s2  }
0x8d: {  	s2 =	sadd.s32 s2, s15  }
0x8e: {  	[smem:$0x3FC6] =	sst s2  }
0x8f: {  	_ = 	snop  }
0x90: {  	s2 =	sld [smem:$0x3FD0];
	_ =	sdelay $0x1  }
0x91: {  	s16 =	sld [smem:$0x3FC9]  }
0x92: {  	s5 =	simm.s32 $0xA;
	s6 =	simm.s32 $0x10;
	s4 =	sld [smem:$0x3FC8]  }
0x93: {  	[smem:s6], [sflag:s5] =	dma.local [hbm:s2], $0x1  }
0x94: {  	_ =	swait.eq [sflag:s5], $0x1  }
0x95: {  	[sflag:s5] =	ssyncset.done $0x0  }
0x96: {  	s17 =	sld [smem:$0x10];
	[sflag:s5] =	ssyncadd.s32 $0xFFFFFFFF  }
0x97: {  	s18 =	sld [smem:$0x11];
	(tm) =	ssettm $0x1  }
0x98: {  	s19 =	sld [smem:$0x3FFB];
	_ =	sdelay $0x3  }
0x99: {  	_ =	strace s19  }
0x9a: {  	s6 =	sld [smem:$0x3FFC];
	_ =	sdelay $0x3  }
0x9b: {  	_ =	strace s6  }
0x9c: {  	s6 =	sld [smem:$0x3FFD];
	_ =	sdelay $0x3  }
0x9d: {  	_ =	strace s6  }
0x9e: {  	_ =	strace $0x8FFFFFFF  }
0x9f: {  	s20 =	sld [smem:$0x3FDB];
	_ =	sdelay $0x1  }
0xa0: {  	s7 =	simm.s32 $_scs_section_size  }
0xa1: {  	s8 =	simm.s32 $_size__tile_overlayer_lowered;
	s9 =	simm.s32 $_tile_overlayer_lowered  }
0xa2: {  	s23 =	simm.s32 $0x1BFF;
	s22 =	sshll.u32 s9, $0x1;
	s6 =	sadd.s32 s7, s20  }
0xa3: {  	s10 =	simm.s32 $0x0;
	s21 =	sshll.u32 s8, $0x1;
	s8 =	sadd.s32 s22, s6  }
0xa4: {  	[timem:s10], [sflag:s23] =	dma.local [hbm:s8], s21  }
0xa5: {  	_ =	swait.ge [sflag:s23], s21  }
0xa6: {  	s7 =	ssub.s32 $0x0, s21;
	[sflag:s23] =	ssyncset.done $0x0  }
0xa7: {  	[sflag:s23] =	ssyncadd.s32 s7;
	_ =	sdelay $0x1  }
0xa8: {  	s24 =	simm.s32 $0x1B8B  }
0xa9: {  	_ =	swait.ge [sflag:s24], $0x1  }
0xaa: {  	[sflag:s24] =	ssyncset.done $0x0  }
0xab: {  	s25 =	simm.s32 $0x1B8E;
	[sflag:s24] =	ssyncadd.s32 $0xFFFFFFFF  }
0xac: {  	s26 =	simm.s32 $execute0_lowered;
	[smem:$0x3FD2] =	sst s25  }
0xad: {  	s7 =	sshll.u32 s26, $0x1;
	_ =	strace $0x80000046;
	[dreg:$0x1] =	wrdreg $0xFFFFFFFF  }
0xae: {  	s28 =	simm.s32 $_size_execute0_lowered;
	s6 =	sadd.s32 s6, s7;
	[dreg:$0x0] =	wrdreg $0x0  }
0xaf: {  	s7 =	sshll.u32 s28, $0x1;
	[dreg:$0x2] =	wrdreg s6  }
0xb0: {  	[dreg:$0x3] =	wrdreg s7  }
0xb1: {  	[dreg:$0x4] =	wrdreg $0xC0  }
0xb2: {  	_ =	task [dreg:s10], $0x5FFFF  }
0xb3: {  	[dreg:$0x1] =	wrdreg $0xFFFFFFFF  }
0xb4: {  	[dreg:$0x0] =	wrdreg $0x60  }
0xb5: {  	[dreg:$0x2] =	wrdreg s16  }
0xb6: {  	[dreg:$0x3] =	wrdreg s4  }
0xb7: {  	[dreg:$0x4] =	wrdreg s17  }
0xb8: {  	[dreg:$0x5] =	wrdreg s18  }
0xb9: {  	[dreg:$0x6] =	wrdreg $0x9  }
0xba: {  	_ =	task.clear_ibuf [dreg:s10], $0x7FFFF;
	_ =	strace $0x90000046  }
0xbb: {  	s29 =	simm.s32 $0x9;
	_ =	strace $0x80000048  }
0xbc: {  	_ =	swait.ge [sflag:s29], $0x1  }
0xbd: {  	[sflag:s29] =	ssyncadd.s32 $0xFFFFFFFF  }
0xbe: {  	_ =	strace $0x90000048  }
0xbf: {  	_ =	sfence  }
0xc0: {  	s30 =	sld [smem:$0x0];
	_ =	sdelay $0x2  }
0xc1: {  	s31 =	sshll.u32 s1, $0xD;
	s1 =	sshrl.u32 s1, $0x2  }
0xc2: {  	s3 =	sand.u32 $0x4000, s31;
	s1 =	sadd.s32 s1, s30  }
0xc3: {  	s0 =	sor.u32 s3, s0;
	s1 =	sshll.u32 s1, $0x11  }
0xc4: {  	s0 =	sor.u32 s1, s0  }
0xc5: {  	s0 =	sadd.s32 $0x8F2B, s0  }
0xc6: {  	[sflag:s0] =	ssyncadd.remote.s32 $0x1  }
0xc7: {  	_ =	sfence.sel $0xFFFF  }
0xc8: {  	[dreg:$0x0] =	wrdreg $0xFFFFFFFF;
	(pc) =	sbr.abs _section_cstart, $3  }
0xc9: {  	[dreg:$0x1] =	wrdreg $0xFFFFFFFF  }
0xca: {  	_ =	task.clear_ibuf [dreg:s10], $0x2FFFF;
	_ =	strace $0x9FFFFFFF  }
0xcb: {  	(tm) =	ssettm $0x7FFFFFFF  }
tec
execute0_lowered:
.L_overlay_start_1:
0x0: {  	(tag) =	ssettag $0x1  }
0x1: {  	s3 =	rddreg [dreg:$0x0]  }
0x2: {  	s9 =	rddreg [dreg:$0x1]  }
0x3: {  	s6 =	rddreg [dreg:$0x2]  }
0x4: {  	s10 =	rddreg [dreg:$0x3]  }
0x5: {  	s0 =	rddreg [dreg:$0x4];
	s2 =	simm.s32 $0x0;
	s4 =	srdreg.scid  }
0x6: {  	s1 =	stileid.u32;
	s13 =	simm.s32 $0x10000;
	s14 =	simm.s32 $0x1  }
0x7: {  	s15 =	simm.s32 $0x3;
	s16 =	simm.s32 $0x4;
	s17 =	simm.s32 $0x5  }
0x8: {  	s18 =	simm.s32 $0x6;
	s19 =	simm.s32 $0x2;
	s4 =	sand.u32 $0x1, s4  }
0x9: {  	s20 =	simm.s32 $0x0;
	[smem:$0x7FF] =	sst s2;
	s5 =	ssub.s32 $0x2, s4  }
0xa: {  	s7 =	sshll.u32 s1, $0xD;
	s4 =	sshll.u32 s4, $0xC;
	s8 =	sshrl.u32 s5, $0x1  }
0xb: {  	_ =	strace $0x80000047;
	s11 =	sor.u32 s4, s7;
	s12 =	ssub.s32 s5, s8  }
0xc: {  	s3 =	sadd.s32 s3, s11;
	s31 =	sor.u32 $0x20000, s11;
	s4 =	sadd.s32 s9, s11  }
0xd: {  	s6 =	sadd.s32 s6, s11;
	s7 =	sadd.s32 s10, s11;
	s11 =	sor.u32 $0x40000, s11  }
0xe: {  	s5 =	sadd.s32 s9, s31;
	s8 =	sadd.s32 s10, s31;
	s9 =	sadd.s32 s9, s11  }
0xf: {  	s10 =	sadd.s32 s10, s11;
	s11 =	smax.u32 s12, $0x1;
	s12 =	simm.s32 $0x8000  }
.LBB2_1:
0x10: {  	[tilespmem:s2], [sflag:$0x1] =	stream.linear.gather [hbm4b:s3+s2], $0x8000, $0x38;
	[tilespmem:$0x18000] =	vst v63  }
0x11: {  	_ = 	snop  }
0x12: {  	[tilespmem:s12], [sflag:$0x3] =	stream.linear.gather [hbm4b:s4+s2], $0x8000, $0x38;
	[tilespmem:$0x18000] =	vst v63  }
0x13: {  	_ = 	snop  }
0x14: {  	[tilespmem:s13], [sflag:$0x4] =	stream.linear.gather [hbm4b:s5+s2], $0x8000, $0x38;
	[tilespmem:$0x18000] =	vst v63  }
0x15: {  	_ =	swait.ge [sflag:s14], $0x8000  }
0x16: {  	s21 =	sand.u32 $0x7800, s2;
	s22 =	sand.u32 $0x380, s2;
	[sflag:s14] =	ssyncset.done $0x0  }
0x17: {  	s21 =	sor.u32 s22, s21;
	[sflag:s14] =	ssyncadd.s32 $0xFFFF8000  }
0x18: {  	v0 =	vld [tilespmem:s21+$0x0]  }
0x19: {  	v1 =	vld [tilespmem:s21+$0x10]  }
0x1a: {  	v2 =	vld [tilespmem:s21+$0x20]  }
0x1b: {  	v3 =	vld [tilespmem:s21+$0x30]  }
0x1c: {  	v4 =	vld [tilespmem:s21+$0x40]  }
0x1d: {  	v5 =	vld [tilespmem:s21+$0x50];
	v0 =	vadd.s32 $0xFFFFFFFF, v0  }
0x1e: {  	v6 =	vld [tilespmem:s21+$0x60];
	v1 =	vadd.s32 $0xFFFFFFFF, v1;
	vm0 =	vlt.u32 v0, $0x8  }
0x1f: {  	v7 =	vld [tilespmem:s21+$0x70];
	v2 =	vadd.s32 $0xFFFFFFFF, v2;
	v0 =	vnsel vm0, $0xFFFFFFFF, v0;
	vm0 =	vlt.u32 v1, $0x8  }
0x20: {  	v8 =	vld [tilespmem:s21+$0x400];
	[tilespmem:s21+$0x0] =	vst v0;
	v0 =	vnsel vm0, $0xFFFFFFFF, v1;
	vm0 =	vlt.u32 v2, $0x8;
	v1 =	vadd.s32 $0xFFFFFFFF, v3  }
0x21: {  	v3 =	vld [tilespmem:s21+$0x410];
	[tilespmem:s21+$0x10] =	vst v0;
	v0 =	vnsel vm0, $0xFFFFFFFF, v2;
	vm0 =	vlt.u32 v1, $0x8;
	v2 =	vadd.s32 $0xFFFFFFFF, v4  }
0x22: {  	v4 =	vadd.s32 $0xFFFFFFFF, v5;
	[tilespmem:s21+$0x20] =	vst v0;
	v0 =	vnsel vm0, $0xFFFFFFFF, v1;
	vm0 =	vlt.u32 v2, $0x8;
	v1 =	vld [tilespmem:s21+$0x420]  }
0x23: {  	v5 =	vadd.s32 $0xFFFFFFFF, v6;
	[tilespmem:s21+$0x30] =	vst v0;
	v2 =	vnsel vm0, $0xFFFFFFFF, v2;
	vm0 =	vlt.u32 v4, $0x8;
	v0 =	vld [tilespmem:s21+$0x430]  }
0x24: {  	v6 =	vadd.s32 $0xFFFFFFFF, v7;
	[tilespmem:s21+$0x40] =	vst v2;
	v4 =	vnsel vm0, $0xFFFFFFFF, v4;
	vm0 =	vlt.u32 v5, $0x8;
	v2 =	vld [tilespmem:s21+$0x440]  }
0x25: {  	s23 =	simm.s32 $0x100;
	s22 =	simm.s32 $0x80;
	[tilespmem:s21+$0x50] =	vst v4;
	v7 =	vnsel vm0, $0xFFFFFFFF, v5;
	vm0 =	vlt.u32 v6, $0x8;
	v5 =	vadd.s32 $0xFFFFFFFF, v8;
	v4 =	vld [tilespmem:s21+$0x450]  }
.LBB2_2:
0x26: {  	s24 =	sand.u32 $0x7800, s23;
	s25 =	sand.u32 $0x380, s22;
	p0 =	sne.s32 s23, $0x7F00;
	[tilespmem:s21+$0x60] =	vst v7;
	v6 =	vnsel vm0, $0xFFFFFFFF, v6;
	vm0 =	vlt.u32 v5, $0x8;
	v3 =	vadd.s32 $0xFFFFFFFF, v3;
	v7 =	vld [tilespmem:s21+$0x460]  }
0x27: {  	s24 =	sor.u32 s25, s24;
	[tilespmem:s21+$0x70] =	vst v6;
	v5 =	vnsel vm0, $0xFFFFFFFF, v5;
	vm0 =	vlt.u32 v3, $0x8;
	v1 =	vadd.s32 $0xFFFFFFFF, v1;
	v6 =	vld [tilespmem:s21+$0x470]  }
0x28: {  	v8 =	vld [tilespmem:s24+$0x0];
	[tilespmem:s21+$0x400] =	vst v5;
	v3 =	vnsel vm0, $0xFFFFFFFF, v3;
	vm0 =	vlt.u32 v1, $0x8;
	v0 =	vadd.s32 $0xFFFFFFFF, v0  }
0x29: {  	v5 =	vld [tilespmem:s24+$0x10];
	[tilespmem:s21+$0x410] =	vst v3;
	v1 =	vnsel vm0, $0xFFFFFFFF, v1;
	vm0 =	vlt.u32 v0, $0x8;
	v2 =	vadd.s32 $0xFFFFFFFF, v2  }
0x2a: {  	v3 =	vld [tilespmem:s24+$0x20];
	[tilespmem:s21+$0x420] =	vst v1;
	v0 =	vnsel vm0, $0xFFFFFFFF, v0;
	vm0 =	vlt.u32 v2, $0x8;
	v1 =	vadd.s32 $0xFFFFFFFF, v4  }
0x2b: {  	v4 =	vld [tilespmem:s24+$0x30];
	[tilespmem:s21+$0x430] =	vst v0;
	v0 =	vnsel vm0, $0xFFFFFFFF, v2;
	vm0 =	vlt.u32 v1, $0x8;
	v2 =	vadd.s32 $0xFFFFFFFF, v7  }
0x2c: {  	v7 =	vld [tilespmem:s24+$0x40];
	[tilespmem:s21+$0x440] =	vst v0;
	v0 =	vnsel vm0, $0xFFFFFFFF, v1;
	vm0 =	vlt.u32 v2, $0x8;
	v1 =	vadd.s32 $0xFFFFFFFF, v6  }
0x2d: {  	v6 =	vadd.s32 $0xFFFFFFFF, v8;
	v8 =	vld [tilespmem:s24+$0x50];
	[tilespmem:s21+$0x450] =	vst v0;
	v0 =	vnsel vm0, $0xFFFFFFFF, v2;
	vm0 =	vlt.u32 v1, $0x8  }
0x2e: {  	vm1 =	vlt.u32 v6, $0x8;
	v2 =	vadd.s32 $0xFFFFFFFF, v5;
	v5 =	vld [tilespmem:s24+$0x60];
	[tilespmem:s21+$0x460] =	vst v0;
	v0 =	vnsel vm0, $0xFFFFFFFF, v1  }
0x2f: {  	v1 =	vnsel vm1, $0xFFFFFFFF, v6;
	vm0 =	vlt.u32 v2, $0x8;
	v3 =	vadd.s32 $0xFFFFFFFF, v3;
	v6 =	vld [tilespmem:s24+$0x70];
	[tilespmem:s21+$0x470] =	vst v0;
	s21 =	smov.u32 s24  }
0x30: {  	[tilespmem:s21+$0x0] =	vst v1;
	v0 =	vnsel vm0, $0xFFFFFFFF, v2;
	vm0 =	vlt.u32 v3, $0x8;
	v1 =	vadd.s32 $0xFFFFFFFF, v4;
	v4 =	vld [tilespmem:s21+$0x400]  }
.Ltmp0:
0x31: {  	[tilespmem:s21+$0x10] =	vst v0;
	v0 =	vnsel vm0, $0xFFFFFFFF, v3;
	vm0 =	vlt.u32 v1, $0x8;
	v2 =	vadd.s32 $0xFFFFFFFF, v7;
	v3 =	vld [tilespmem:s21+$0x410];
	(pc) =	sbr.rel @p0 .LBB2_2-.Ltmp0, $4  }
0x32: {  	[tilespmem:s21+$0x20] =	vst v0;
	v0 =	vnsel vm0, $0xFFFFFFFF, v1;
	vm0 =	vlt.u32 v2, $0x8;
	v7 =	vadd.s32 $0xFFFFFFFF, v8;
	v1 =	vld [tilespmem:s21+$0x420]  }
0x33: {  	[tilespmem:s21+$0x30] =	vst v0;
	v2 =	vnsel vm0, $0xFFFFFFFF, v2;
	vm0 =	vlt.u32 v7, $0x8;
	v5 =	vadd.s32 $0xFFFFFFFF, v5;
	v0 =	vld [tilespmem:s21+$0x430]  }
0x34: {  	[tilespmem:s21+$0x40] =	vst v2;
	v7 =	vnsel vm0, $0xFFFFFFFF, v7;
	vm0 =	vlt.u32 v5, $0x8;
	v6 =	vadd.s32 $0xFFFFFFFF, v6;
	v2 =	vld [tilespmem:s21+$0x440]  }
0x35: {  	s22 =	sadd.s32 $0x80, s22;
	s23 =	sadd.s32 $0x100, s23;
	[tilespmem:s21+$0x50] =	vst v7;
	v7 =	vnsel vm0, $0xFFFFFFFF, v5;
	vm0 =	vlt.u32 v6, $0x8;
	v5 =	vadd.s32 $0xFFFFFFFF, v4;
	v4 =	vld [tilespmem:s21+$0x450]  }
0x36: {  	[tilespmem:s21+$0x60] =	vst v7;
	v6 =	vnsel vm0, $0xFFFFFFFF, v6;
	vm8 =	vlt.u32 v5, $0x8;
	v3 =	vadd.s32 $0xFFFFFFFF, v3;
	v55 =	vld [tilespmem:s21+$0x460]  }
0x37: {  	v56 =	vld [tilespmem:s21+$0x470];
	[tilespmem:s21+$0x70] =	vst v6;
	v5 =	vnsel vm8, $0xFFFFFFFF, v5;
	vm9 =	vlt.u32 v3, $0x8;
	v1 =	vadd.s32 $0xFFFFFFFF, v1  }
0x38: {  	[tilespmem:s21+$0x400] =	vst v5;
	v3 =	vnsel vm9, $0xFFFFFFFF, v3;
	vm10 =	vlt.u32 v1, $0x8;
	v0 =	vadd.s32 $0xFFFFFFFF, v0  }
0x39: {  	[tilespmem:s21+$0x410] =	vst v3;
	v1 =	vnsel vm10, $0xFFFFFFFF, v1;
	vm11 =	vlt.u32 v0, $0x8;
	v2 =	vadd.s32 $0xFFFFFFFF, v2  }
0x3a: {  	[tilespmem:s21+$0x420] =	vst v1;
	v0 =	vnsel vm11, $0xFFFFFFFF, v0;
	vm12 =	vlt.u32 v2, $0x8;
	v57 =	vadd.s32 $0xFFFFFFFF, v4  }
0x3b: {  	[tilespmem:s21+$0x430] =	vst v0;
	v58 =	vnsel vm12, $0xFFFFFFFF, v2;
	vm13 =	vlt.u32 v57, $0x8;
	v59 =	vadd.s32 $0xFFFFFFFF, v55  }
0x3c: {  	v61 =	vadd.s32 $0xFFFFFFFF, v56;
	[tilespmem:s21+$0x440] =	vst v58;
	v60 =	vnsel vm13, $0xFFFFFFFF, v57;
	vm14 =	vlt.u32 v59, $0x8  }
0x3d: {  	vm15 =	vlt.u32 v61, $0x8;
	[tilespmem:s21+$0x450] =	vst v60;
	v62 =	vnsel vm14, $0xFFFFFFFF, v59  }
0x3e: {  	v63 =	vnsel vm15, $0xFFFFFFFF, v61;
	[tilespmem:s21+$0x460] =	vst v62  }
0x3f: {  	[tilespmem:s21+$0x470] =	vst v63  }
0x40: {  	[hbm4b:s6+s2] =	stream.linear.scatter [tilespmem:s2], [sflag:$0x2], $0x8000, $0x38;
	[tilespmem:$0x18000] =	vst v63  }
0x41: {  	_ =	swait.ge [sflag:s15], $0x8000  }
0x42: {  	[sflag:s15] =	ssyncset.done $0x0  }
0x43: {  	[sflag:s15] =	ssyncadd.s32 $0xFFFF8000  }
0x44: {  	[hbm4b:s7+s2] =	stream.linear.scatter [tilespmem:s12], [sflag:$0x5], $0x8000, $0x38;
	[tilespmem:$0x18000] =	vst v63  }
0x45: {  	_ =	swait.ge [sflag:s16], $0x8000  }
0x46: {  	[sflag:s16] =	ssyncset.done $0x0  }
0x47: {  	[sflag:s16] =	ssyncadd.s32 $0xFFFF8000  }
0x48: {  	[hbm4b:s8+s2] =	stream.linear.scatter [tilespmem:s13], [sflag:$0x6], $0x8000, $0x38;
	[tilespmem:$0x18000] =	vst v63  }
0x49: {  	_ =	swait.ge [sflag:s17], $0x8000  }
0x4a: {  	[sflag:s17] =	ssyncset.done $0x0  }
0x4b: {  	[sflag:s17] =	ssyncadd.s32 $0xFFFF8000  }
0x4c: {  	[tilespmem:s12], [sflag:$0x3] =	stream.linear.gather [hbm4b:s9+s2], $0x8000, $0x38;
	[tilespmem:$0x18000] =	vst v63  }
0x4d: {  	_ =	swait.ge [sflag:s15], $0x8000  }
0x4e: {  	[sflag:s15] =	ssyncset.done $0x0  }
0x4f: {  	[sflag:s15] =	ssyncadd.s32 $0xFFFF8000  }
0x50: {  	[hbm4b:s10+s2] =	stream.linear.scatter [tilespmem:s12], [sflag:$0x5], $0x8000, $0x38;
	[tilespmem:$0x18000] =	vst v63  }
0x51: {  	_ =	swait.ge [sflag:s18], $0x8000  }
0x52: {  	[sflag:s18] =	ssyncset.done $0x0  }
0x53: {  	s20 =	sadd.s32 $0x1, s20;
	[sflag:s18] =	ssyncadd.s32 $0xFFFF8000  }
0x54: {  	p0 =	sne.s32 s20, s11;
	_ =	swait.ge [sflag:s17], $0x8000  }
.Ltmp1:
0x55: {  	[sflag:s17] =	ssyncset.done $0x0;
	(pc) =	sbr.rel @p0 .LBB2_1-.Ltmp1, $4  }
0x56: {  	[sflag:s17] =	ssyncadd.s32 $0xFFFF8000  }
0x57: {  	_ =	swait.ge [sflag:s19], $0x8000  }
0x58: {  	[sflag:s19] =	ssyncset.done $0x0  }
0x59: {  	[sflag:s19] =	ssyncadd.s32 $0xFFFF8000  }
0x5a: {  	_ =	sfence.sel $0x180000  }
0x5b: {  	[bflag:$0x0] =	sbarrier.arrive $0xFFFF  }
0x5c: {  	p0 =	sne.s32 s1, $0x0;
	_ =	strace $0x90000047  }
0x5d: {  	s0 =	sadd.s32 @!p0 $0x100000, s0;
	[bflag:$0x2] =	sbarrier.arrive $0xFFFF  }
0x5e: {  	[sflag:s0] =	ssyncadd.tile.s32 @!p0 $0x1;
	_ =	shalt  }
.Lfunc_end2:
_tile_overlayer_lowered:
.L_overlay_start_2:
0x5f: {  	(tag) =	ssettag $0x2  }
0x60: {  	s0 =	rddreg [dreg:$0x0];
	s2 =	stileid.u32  }
0x61: {  	s1 =	rddreg [dreg:$0x1];
	p0 =	sne.s32 s2, $0x0  }
0x62: {  	s3 =	rddreg [dreg:$0x2];
	[bflag:$0x3] =	sbarrier.arrive $0xFFFF;
	s2 =	simm.s32 @!p0 $0x1C07  }
0x63: {  	[timem:s3], [sflag:s2] =	dma.local @!p0 [hbm:s0], s1  }
0x64: {  	s0 =	simm.s32 @!p0 $0x7  }
0x65: {  	_ =	swait.ge @!p0 [sflag:s0], s1  }
0x66: {  	s1 =	ssub.s32 @!p0 $0x0, s1;
	[sflag:s0] =	ssyncset.done @!p0 $0x0  }
0x67: {  	[sflag:s0] =	ssyncadd.s32 @!p0 s1  }
0x68: {  	[bflag:$0x3] =	sbarrier.arrive $0xFFFF  }
0x69: {  	_ =	shalt  }

</sc_bundles>
